<compile_context>
chip_gen: v7x
topology: tpu7x:2x2x1
jax: 0.10.2.dev20260603
libtpu: 0.0.44.dev20260713+nightly
codegen_flags: <defaults>
</compile_context>

<pallas_src>
import jax
import jax.numpy as jnp
from jax import lax
from jax.experimental import pallas as pl
from jax.experimental.pallas import tpu as pltpu
from jax.experimental.pallas import tpu_sc as plsc

N_TOKENS = 16384
D_MODEL = 2048
N_GROUPS = 8

_TN = 1024

_NC = 2
_NS = 16
_NW = _NC * _NS
_TOK_PER_W = N_TOKENS // _NW
_LANES = 16
_CHUNKS = _TOK_PER_W // _LANES


def _logits_body(x_ref, w_ref, out_ref):
    i = pl.program_id(0)
    out_ref[:, pl.ds(i * _TN, _TN)] = lax.dot_general(
        w_ref[...], x_ref[...],
        dimension_numbers=(((1,), (1,)), ((), ())),
        preferred_element_type=jnp.float32,
    )


def _compute_logits_t(x, W):
    return pl.pallas_call(
        _logits_body,
        grid=(N_TOKENS // _TN,),
        in_specs=[
            pl.BlockSpec((_TN, D_MODEL), lambda i: (i, 0)),
            pl.BlockSpec((N_GROUPS, D_MODEL), lambda i: (0, 0)),
        ],
        out_specs=pl.BlockSpec((N_GROUPS, N_TOKENS), lambda i: (0, 0)),
        out_shape=jax.ShapeDtypeStruct((N_GROUPS, N_TOKENS), jnp.float32),
    )(x, W)


def _route_body(logits_hbm, rw_hbm, mask_hbm, scores_hbm,
                lbuf, rwbuf, mbuf, sbuf, dsem):
    wid = lax.axis_index("s") * _NC + lax.axis_index("c")
    base = wid * _TOK_PER_W
    pltpu.sync_copy(logits_hbm.at[:, pl.ds(base, _TOK_PER_W)], lbuf)

    def chunk(c, carry):
        off = c * _LANES
        l = [lbuf[g, pl.ds(off, _LANES)] for g in range(N_GROUPS)]
        m = l[0]
        for g in range(1, N_GROUPS):
            m = jnp.maximum(m, l[g])
        e = [jnp.exp(v - m) for v in l]
        tot = e[0]
        for g in range(1, N_GROUPS):
            tot = tot + e[g]
        sc = [v / tot for v in e]
        ms = jnp.ones((_LANES,), jnp.float32) / tot
        rwv = ms / (ms + jnp.float32(1e-8))
        one = jnp.ones((_LANES,), jnp.float32)
        zero = jnp.zeros((_LANES,), jnp.float32)
        seen = jnp.zeros((_LANES,), jnp.bool_)
        for g in range(N_GROUPS):
            is_g = (sc[g] == ms) & jnp.logical_not(seen)
            seen = seen | is_g
            sbuf[g, pl.ds(off, _LANES)] = sc[g]
            mbuf[g, pl.ds(off, _LANES)] = jnp.where(is_g, one, zero)
            rwbuf[g, pl.ds(off, _LANES)] = jnp.where(is_g, rwv, zero)
        return carry

    lax.fori_loop(0, _CHUNKS, chunk, 0)
    dst = pl.ds(base, _TOK_PER_W)
    c1 = pltpu.async_copy(rwbuf, rw_hbm.at[:, dst], dsem)
    c2 = pltpu.async_copy(mbuf, mask_hbm.at[:, dst], dsem)
    c3 = pltpu.async_copy(sbuf, scores_hbm.at[:, dst], dsem)
    c1.wait()
    c2.wait()
    c3.wait()


def _route(logits_t):
    mesh = plsc.VectorSubcoreMesh(core_axis_name="c", subcore_axis_name="s")
    out = jax.ShapeDtypeStruct((N_GROUPS, N_TOKENS), jnp.float32)
    f = pl.kernel(
        _route_body,
        out_type=[out, out, out],
        mesh=mesh,
        scratch_types=[pltpu.VMEM((N_GROUPS, _TOK_PER_W), jnp.float32)] * 4
        + [pltpu.SemaphoreType.DMA],
        compiler_params=pltpu.CompilerParams(needs_layout_passes=False),
    )
    return f(logits_t)


def kernel(x, W):
    logits_t = _compute_logits_t(x, W)
    rw, mask, scores = _route(logits_t)
    return rw.T, mask.T, scores.T

# --- scband reference (transcript-rebuilt; emitter-appended) ---
"""Pipeline reference for scband-token-mo-erouter-9448928051671 (READ-ONLY COPY).

The authoritative reference and input builder live on the scoring server;
editing this copy changes nothing except your own understanding.
"""

import jax, jax.numpy as jnp
import numpy as np

D_MODEL = 2048
N_GROUPS = 8
TOP_K = 1
N_TOKENS = 16384


def setup_inputs(seed: int = 0) -> dict:
    key = jax.random.key(seed)
    kx, kw = jax.random.split(key)
    x = jax.random.normal(kx, (N_TOKENS, D_MODEL), dtype=jnp.float32)
    # nn.Linear(d_model, n_groups, bias=False) weight: [n_groups, d_model]
    bound = 1.0 / np.sqrt(D_MODEL)
    W = jax.random.uniform(kw, (N_GROUPS, D_MODEL), dtype=jnp.float32, minval=-bound, maxval=bound)
    return {"x": x, "W": W}


def reference(x, W):
    logits = x @ W.T                                  # [N, G]
    scores = jax.nn.softmax(logits, axis=-1)          # [N, G]
    topk_vals, topk_idx = jax.lax.top_k(scores, TOP_K)  # [N, K]
    # scatter 1.0 at top-k indices along last dim (zeros_like + scatter_)
    active_mask = jnp.sum(jax.nn.one_hot(topk_idx, N_GROUPS, dtype=scores.dtype), axis=-2)
    active_mask = jnp.minimum(active_mask, 1.0)
    routing_weights = scores * active_mask
    routing_weights = routing_weights / (routing_weights.sum(axis=-1, keepdims=True) + 1e-08)
    return (routing_weights, active_mask, scores)

if __name__ == "__main__":
    import jax
    _d = setup_inputs()
    print(jax.jit(kernel)(*tuple(_d.values())))

</pallas_src>

<mosaic_0001>
#map = affine_map<(d0, d1) -> (0, 0)>
module attributes {stable_mosaic.version = 14 : i64} {
  func.func @_route_body(%arg0: i32, %arg1: i32, %arg2: memref<8x16384xf32, #tpu.memory_space<hbm>>, %arg3: memref<8x16384xf32, #tpu.memory_space<hbm>>, %arg4: memref<8x16384xf32, #tpu.memory_space<hbm>>, %arg5: memref<8x16384xf32, #tpu.memory_space<hbm>>, %arg6: memref<8x512xf32, #tpu.memory_space<vmem>>, %arg7: memref<8x512xf32, #tpu.memory_space<vmem>>, %arg8: memref<8x512xf32, #tpu.memory_space<vmem>>, %arg9: memref<8x512xf32, #tpu.memory_space<vmem>>, %arg10: memref<!tpu.dma_semaphore, #tpu.memory_space<semaphore_mem>>) attributes {dimension_semantics = [#tpu.dimension_semantics<core_parallel>, #tpu.dimension_semantics<subcore_parallel>], iteration_bounds = array<i64: 2, 16>, scalar_prefetch = 0 : i64, scratch_operands = 5 : i64, tpu.core_type = #tpu.core_type<sc_vector_subcore>, window_params = [{transform_indices = #map}, {transform_indices = #map}, {transform_indices = #map}, {transform_indices = #map}]} {
    %mul3A = arith.constant 2 : i32
    %mul3A_0 = arith.muli %arg1, %mul3A : i32
    %add3A = arith.addi %mul3A_0, %arg0 : i32
    %mul3A_1 = arith.constant 512 : i32
    %mul3A_2 = arith.muli %add3A, %mul3A_1 : i32
    "tpu.region"() ({
      %run_scoped3A = tpu.sem_alloc : memref<!tpu.dma_semaphore, #tpu.memory_space<semaphore_mem>>
      %dma_start3A_30 = arith.constant 0 : i32
      %dma_start3A_31 = tpu.memref_slice %arg2[%dma_start3A_30, %mul3A_2] : memref<8x16384xf32, #tpu.memory_space<hbm>> -> memref<8x512xf32, #tpu.memory_space<hbm>>
      %dma_start3A_32 = arith.constant 0 : i32
      %dma_start3A_33 = tpu.memref_slice %arg2[%dma_start3A_32, %mul3A_2] : memref<8x16384xf32, #tpu.memory_space<hbm>> -> memref<8x512xf32, #tpu.memory_space<hbm>>
      tpu.enqueue_dma source(%dma_start3A_33 : memref<8x512xf32, #tpu.memory_space<hbm>>) target(%arg6 : memref<8x512xf32, #tpu.memory_space<vmem>>) target_semaphore(%run_scoped3A : memref<!tpu.dma_semaphore, #tpu.memory_space<semaphore_mem>>)
      %dma_wait3A_34 = arith.constant 0 : i32
      %dma_wait3A_35 = tpu.memref_slice %arg2[%dma_wait3A_34, %mul3A_2] : memref<8x16384xf32, #tpu.memory_space<hbm>> -> memref<8x512xf32, #tpu.memory_space<hbm>>
      %dma_wait3A_36 = arith.constant 0 : i32
      %dma_wait3A_37 = tpu.memref_slice %arg2[%dma_wait3A_36, %mul3A_2] : memref<8x16384xf32, #tpu.memory_space<hbm>> -> memref<8x512xf32, #tpu.memory_space<hbm>>
      tpu.wait_dma2 semaphore(%run_scoped3A : memref<!tpu.dma_semaphore, #tpu.memory_space<semaphore_mem>>) src(%dma_wait3A_37 : memref<8x512xf32, #tpu.memory_space<hbm>>) dst(%arg6 : memref<8x512xf32, #tpu.memory_space<vmem>>)
      tpu.yield
    }) : () -> ()
    %scan3A = arith.constant 0 : i32
    %scan3A_3 = arith.constant 0 : i32
    %scan3A_4 = arith.constant 32 : i32
    %scan3A_5 = arith.addi %scan3A_3, %scan3A_4 : i32
    %scan3A_6 = arith.constant 1 : i32
    scf.for %scan3A_30 = %scan3A_3 to %scan3A_5 step %scan3A_6  : i32 {
      %mul3A_31 = arith.constant 16 : i32
      %mul3A_32 = arith.muli %scan3A_30, %mul3A_31 : i32
      %get3A = arith.constant 0 : i32
      %get3A_33 = arith.index_cast %get3A : i32 to index
      %get3A_34 = arith.index_cast %mul3A_32 : i32 to index
      %get3A_35 = tpu.vector_load %arg6[%get3A_33, %get3A_34] {strides = array<i32>} : memref<8x512xf32, #tpu.memory_space<vmem>>, vector<16xf32>,
      %get3A_36 = arith.constant 1 : i32
      %get3A_37 = arith.index_cast %get3A_36 : i32 to index
      %get3A_38 = arith.index_cast %mul3A_32 : i32 to index
      %get3A_39 = tpu.vector_load %arg6[%get3A_37, %get3A_38] {strides = array<i32>} : memref<8x512xf32, #tpu.memory_space<vmem>>, vector<16xf32>,
      %get3A_40 = arith.constant 2 : i32
      %get3A_41 = arith.index_cast %get3A_40 : i32 to index
      %get3A_42 = arith.index_cast %mul3A_32 : i32 to index
      %get3A_43 = tpu.vector_load %arg6[%get3A_41, %get3A_42] {strides = array<i32>} : memref<8x512xf32, #tpu.memory_space<vmem>>, vector<16xf32>,
      %get3A_44 = arith.constant 3 : i32
      %get3A_45 = arith.index_cast %get3A_44 : i32 to index
      %get3A_46 = arith.index_cast %mul3A_32 : i32 to index
      %get3A_47 = tpu.vector_load %arg6[%get3A_45, %get3A_46] {strides = array<i32>} : memref<8x512xf32, #tpu.memory_space<vmem>>, vector<16xf32>,
      %get3A_48 = arith.constant 4 : i32
      %get3A_49 = arith.index_cast %get3A_48 : i32 to index
      %get3A_50 = arith.index_cast %mul3A_32 : i32 to index
      %get3A_51 = tpu.vector_load %arg6[%get3A_49, %get3A_50] {strides = array<i32>} : memref<8x512xf32, #tpu.memory_space<vmem>>, vector<16xf32>,
      %get3A_52 = arith.constant 5 : i32
      %get3A_53 = arith.index_cast %get3A_52 : i32 to index
      %get3A_54 = arith.index_cast %mul3A_32 : i32 to index
      %get3A_55 = tpu.vector_load %arg6[%get3A_53, %get3A_54] {strides = array<i32>} : memref<8x512xf32, #tpu.memory_space<vmem>>, vector<16xf32>,
      %get3A_56 = arith.constant 6 : i32
      %get3A_57 = arith.index_cast %get3A_56 : i32 to index
      %get3A_58 = arith.index_cast %mul3A_32 : i32 to index
      %get3A_59 = tpu.vector_load %arg6[%get3A_57, %get3A_58] {strides = array<i32>} : memref<8x512xf32, #tpu.memory_space<vmem>>, vector<16xf32>,
      %get3A_60 = arith.constant 7 : i32
      %get3A_61 = arith.index_cast %get3A_60 : i32 to index
      %get3A_62 = arith.index_cast %mul3A_32 : i32 to index
      %get3A_63 = tpu.vector_load %arg6[%get3A_61, %get3A_62] {strides = array<i32>} : memref<8x512xf32, #tpu.memory_space<vmem>>, vector<16xf32>,
      %max3A = arith.maximumf %get3A_35, %get3A_39 : vector<16xf32>
      %max3A_64 = arith.maximumf %max3A, %get3A_43 : vector<16xf32>
      %max3A_65 = arith.maximumf %max3A_64, %get3A_47 : vector<16xf32>
      %max3A_66 = arith.maximumf %max3A_65, %get3A_51 : vector<16xf32>
      %max3A_67 = arith.maximumf %max3A_66, %get3A_55 : vector<16xf32>
      %max3A_68 = arith.maximumf %max3A_67, %get3A_59 : vector<16xf32>
      %max3A_69 = arith.maximumf %max3A_68, %get3A_63 : vector<16xf32>
      %sub3A = arith.subf %get3A_35, %max3A_69 : vector<16xf32>
      %exp3A = math.exp %sub3A : vector<16xf32>
      %sub3A_70 = arith.subf %get3A_39, %max3A_69 : vector<16xf32>
      %exp3A_71 = math.exp %sub3A_70 : vector<16xf32>
      %sub3A_72 = arith.subf %get3A_43, %max3A_69 : vector<16xf32>
      %exp3A_73 = math.exp %sub3A_72 : vector<16xf32>
      %sub3A_74 = arith.subf %get3A_47, %max3A_69 : vector<16xf32>
      %exp3A_75 = math.exp %sub3A_74 : vector<16xf32>
      %sub3A_76 = arith.subf %get3A_51, %max3A_69 : vector<16xf32>
      %exp3A_77 = math.exp %sub3A_76 : vector<16xf32>
      %sub3A_78 = arith.subf %get3A_55, %max3A_69 : vector<16xf32>
      %exp3A_79 = math.exp %sub3A_78 : vector<16xf32>
      %sub3A_80 = arith.subf %get3A_59, %max3A_69 : vector<16xf32>
      %exp3A_81 = math.exp %sub3A_80 : vector<16xf32>
      %sub3A_82 = arith.subf %get3A_63, %max3A_69 : vector<16xf32>
      %exp3A_83 = math.exp %sub3A_82 : vector<16xf32>
      %add3A_84 = arith.addf %exp3A, %exp3A_71 : vector<16xf32>
      %add3A_85 = arith.addf %add3A_84, %exp3A_73 : vector<16xf32>
      %add3A_86 = arith.addf %add3A_85, %exp3A_75 : vector<16xf32>
      %add3A_87 = arith.addf %add3A_86, %exp3A_77 : vector<16xf32>
      %add3A_88 = arith.addf %add3A_87, %exp3A_79 : vector<16xf32>
      %add3A_89 = arith.addf %add3A_88, %exp3A_81 : vector<16xf32>
      %add3A_90 = arith.addf %add3A_89, %exp3A_83 : vector<16xf32>
      %div3A = arith.divf %exp3A, %add3A_90 : vector<16xf32>
      %div3A_91 = arith.divf %exp3A_71, %add3A_90 : vector<16xf32>
      %div3A_92 = arith.divf %exp3A_73, %add3A_90 : vector<16xf32>
      %div3A_93 = arith.divf %exp3A_75, %add3A_90 : vector<16xf32>
      %div3A_94 = arith.divf %exp3A_77, %add3A_90 : vector<16xf32>
      %div3A_95 = arith.divf %exp3A_79, %add3A_90 : vector<16xf32>
      %div3A_96 = arith.divf %exp3A_81, %add3A_90 : vector<16xf32>
      %div3A_97 = arith.divf %exp3A_83, %add3A_90 : vector<16xf32>
      %broadcast_in_dim3A = arith.constant 1.000000e+00 : f32
      %broadcast_in_dim3A_98 = vector.broadcast %broadcast_in_dim3A : f32 to vector<16xf32>
      %div3A_99 = arith.divf %broadcast_in_dim3A_98, %add3A_90 : vector<16xf32>
      %add3A_100 = arith.constant 9.99999993E-9 : f32
      %add3A_101 = vector.broadcast %add3A_100 : f32 to vector<16xf32>
      %add3A_102 = arith.addf %div3A_99, %add3A_101 : vector<16xf32>
      %div3A_103 = arith.divf %div3A_99, %add3A_102 : vector<16xf32>
      %broadcast_in_dim3A_104 = arith.constant 1.000000e+00 : f32
      %broadcast_in_dim3A_105 = vector.broadcast %broadcast_in_dim3A_104 : f32 to vector<16xf32>
      %broadcast_in_dim3A_106 = arith.constant 0.000000e+00 : f32
      %broadcast_in_dim3A_107 = vector.broadcast %broadcast_in_dim3A_106 : f32 to vector<16xf32>
      %broadcast_in_dim3A_108 = arith.constant false
      %broadcast_in_dim3A_109 = vector.broadcast %broadcast_in_dim3A_108 : i1 to vector<16xi1>
      %eq3A = arith.cmpf oeq, %div3A, %div3A_99 : vector<16xf32>
      %not3A = arith.constant dense<true> : vector<16xi1>
      %not3A_110 = arith.xori %broadcast_in_dim3A_109, %not3A : vector<16xi1>
      %and3A = arith.andi %eq3A, %not3A_110 : vector<16xi1>
      %or3A = arith.ori %broadcast_in_dim3A_109, %and3A : vector<16xi1>
      %swap3A = arith.constant 0 : i32
      %swap3A_111 = arith.index_cast %swap3A : i32 to index
      %swap3A_112 = arith.index_cast %mul3A_32 : i32 to index
      %swap3A_113 = tpu.vector_load %arg9[%swap3A_111, %swap3A_112] {strides = array<i32>} : memref<8x512xf32, #tpu.memory_space<vmem>>, vector<16xf32>,
      tpu.vector_store %arg9[%swap3A_111, %swap3A_112], %div3A {strides = array<i32>} : memref<8x512xf32, #tpu.memory_space<vmem>>, vector<16xf32>,
      %select_n3A = arith.select %and3A, %broadcast_in_dim3A_105, %broadcast_in_dim3A_107 : vector<16xi1>, vector<16xf32>
      %swap3A_114 = arith.constant 0 : i32
      %swap3A_115 = arith.index_cast %swap3A_114 : i32 to index
      %swap3A_116 = arith.index_cast %mul3A_32 : i32 to index
      %swap3A_117 = tpu.vector_load %arg8[%swap3A_115, %swap3A_116] {strides = array<i32>} : memref<8x512xf32, #tpu.memory_space<vmem>>, vector<16xf32>,
      tpu.vector_store %arg8[%swap3A_115, %swap3A_116], %select_n3A {strides = array<i32>} : memref<8x512xf32, #tpu.memory_space<vmem>>, vector<16xf32>,
      %select_n3A_118 = arith.select %and3A, %div3A_103, %broadcast_in_dim3A_107 : vector<16xi1>, vector<16xf32>
      %swap3A_119 = arith.constant 0 : i32
      %swap3A_120 = arith.index_cast %swap3A_119 : i32 to index
      %swap3A_121 = arith.index_cast %mul3A_32 : i32 to index
      %swap3A_122 = tpu.vector_load %arg7[%swap3A_120, %swap3A_121] {strides = array<i32>} : memref<8x512xf32, #tpu.memory_space<vmem>>, vector<16xf32>,
      tpu.vector_store %arg7[%swap3A_120, %swap3A_121], %select_n3A_118 {strides = array<i32>} : memref<8x512xf32, #tpu.memory_space<vmem>>, vector<16xf32>,
      %eq3A_123 = arith.cmpf oeq, %div3A_91, %div3A_99 : vector<16xf32>
      %not3A_124 = arith.constant dense<true> : vector<16xi1>
      %not3A_125 = arith.xori %or3A, %not3A_124 : vector<16xi1>
      %and3A_126 = arith.andi %eq3A_123, %not3A_125 : vector<16xi1>
      %or3A_127 = arith.ori %or3A, %and3A_126 : vector<16xi1>
      %swap3A_128 = arith.constant 1 : i32
      %swap3A_129 = arith.index_cast %swap3A_128 : i32 to index
      %swap3A_130 = arith.index_cast %mul3A_32 : i32 to index
      %swap3A_131 = tpu.vector_load %arg9[%swap3A_129, %swap3A_130] {strides = array<i32>} : memref<8x512xf32, #tpu.memory_space<vmem>>, vector<16xf32>,
      tpu.vector_store %arg9[%swap3A_129, %swap3A_130], %div3A_91 {strides = array<i32>} : memref<8x512xf32, #tpu.memory_space<vmem>>, vector<16xf32>,
      %select_n3A_132 = arith.select %and3A_126, %broadcast_in_dim3A_105, %broadcast_in_dim3A_107 : vector<16xi1>, vector<16xf32>
      %swap3A_133 = arith.constant 1 : i32
      %swap3A_134 = arith.index_cast %swap3A_133 : i32 to index
      %swap3A_135 = arith.index_cast %mul3A_32 : i32 to index
      %swap3A_136 = tpu.vector_load %arg8[%swap3A_134, %swap3A_135] {strides = array<i32>} : memref<8x512xf32, #tpu.memory_space<vmem>>, vector<16xf32>,
      tpu.vector_store %arg8[%swap3A_134, %swap3A_135], %select_n3A_132 {strides = array<i32>} : memref<8x512xf32, #tpu.memory_space<vmem>>, vector<16xf32>,
      %select_n3A_137 = arith.select %and3A_126, %div3A_103, %broadcast_in_dim3A_107 : vector<16xi1>, vector<16xf32>
      %swap3A_138 = arith.constant 1 : i32
      %swap3A_139 = arith.index_cast %swap3A_138 : i32 to index
      %swap3A_140 = arith.index_cast %mul3A_32 : i32 to index
      %swap3A_141 = tpu.vector_load %arg7[%swap3A_139, %swap3A_140] {strides = array<i32>} : memref<8x512xf32, #tpu.memory_space<vmem>>, vector<16xf32>,
      tpu.vector_store %arg7[%swap3A_139, %swap3A_140], %select_n3A_137 {strides = array<i32>} : memref<8x512xf32, #tpu.memory_space<vmem>>, vector<16xf32>,
      %eq3A_142 = arith.cmpf oeq, %div3A_92, %div3A_99 : vector<16xf32>
      %not3A_143 = arith.constant dense<true> : vector<16xi1>
      %not3A_144 = arith.xori %or3A_127, %not3A_143 : vector<16xi1>
      %and3A_145 = arith.andi %eq3A_142, %not3A_144 : vector<16xi1>
      %or3A_146 = arith.ori %or3A_127, %and3A_145 : vector<16xi1>
      %swap3A_147 = arith.constant 2 : i32
      %swap3A_148 = arith.index_cast %swap3A_147 : i32 to index
      %swap3A_149 = arith.index_cast %mul3A_32 : i32 to index
      %swap3A_150 = tpu.vector_load %arg9[%swap3A_148, %swap3A_149] {strides = array<i32>} : memref<8x512xf32, #tpu.memory_space<vmem>>, vector<16xf32>,
      tpu.vector_store %arg9[%swap3A_148, %swap3A_149], %div3A_92 {strides = array<i32>} : memref<8x512xf32, #tpu.memory_space<vmem>>, vector<16xf32>,
      %select_n3A_151 = arith.select %and3A_145, %broadcast_in_dim3A_105, %broadcast_in_dim3A_107 : vector<16xi1>, vector<16xf32>
      %swap3A_152 = arith.constant 2 : i32
      %swap3A_153 = arith.index_cast %swap3A_152 : i32 to index
      %swap3A_154 = arith.index_cast %mul3A_32 : i32 to index
      %swap3A_155 = tpu.vector_load %arg8[%swap3A_153, %swap3A_154] {strides = array<i32>} : memref<8x512xf32, #tpu.memory_space<vmem>>, vector<16xf32>,
      tpu.vector_store %arg8[%swap3A_153, %swap3A_154], %select_n3A_151 {strides = array<i32>} : memref<8x512xf32, #tpu.memory_space<vmem>>, vector<16xf32>,
      %select_n3A_156 = arith.select %and3A_145, %div3A_103, %broadcast_in_dim3A_107 : vector<16xi1>, vector<16xf32>
      %swap3A_157 = arith.constant 2 : i32
      %swap3A_158 = arith.index_cast %swap3A_157 : i32 to index
      %swap3A_159 = arith.index_cast %mul3A_32 : i32 to index
      %swap3A_160 = tpu.vector_load %arg7[%swap3A_158, %swap3A_159] {strides = array<i32>} : memref<8x512xf32, #tpu.memory_space<vmem>>, vector<16xf32>,
      tpu.vector_store %arg7[%swap3A_158, %swap3A_159], %select_n3A_156 {strides = array<i32>} : memref<8x512xf32, #tpu.memory_space<vmem>>, vector<16xf32>,
      %eq3A_161 = arith.cmpf oeq, %div3A_93, %div3A_99 : vector<16xf32>
      %not3A_162 = arith.constant dense<true> : vector<16xi1>
      %not3A_163 = arith.xori %or3A_146, %not3A_162 : vector<16xi1>
      %and3A_164 = arith.andi %eq3A_161, %not3A_163 : vector<16xi1>
      %or3A_165 = arith.ori %or3A_146, %and3A_164 : vector<16xi1>
      %swap3A_166 = arith.constant 3 : i32
      %swap3A_167 = arith.index_cast %swap3A_166 : i32 to index
      %swap3A_168 = arith.index_cast %mul3A_32 : i32 to index
      %swap3A_169 = tpu.vector_load %arg9[%swap3A_167, %swap3A_168] {strides = array<i32>} : memref<8x512xf32, #tpu.memory_space<vmem>>, vector<16xf32>,
      tpu.vector_store %arg9[%swap3A_167, %swap3A_168], %div3A_93 {strides = array<i32>} : memref<8x512xf32, #tpu.memory_space<vmem>>, vector<16xf32>,
      %select_n3A_170 = arith.select %and3A_164, %broadcast_in_dim3A_105, %broadcast_in_dim3A_107 : vector<16xi1>, vector<16xf32>
      %swap3A_171 = arith.constant 3 : i32
      %swap3A_172 = arith.index_cast %swap3A_171 : i32 to index
      %swap3A_173 = arith.index_cast %mul3A_32 : i32 to index
      %swap3A_174 = tpu.vector_load %arg8[%swap3A_172, %swap3A_173] {strides = array<i32>} : memref<8x512xf32, #tpu.memory_space<vmem>>, vector<16xf32>,
      tpu.vector_store %arg8[%swap3A_172, %swap3A_173], %select_n3A_170 {strides = array<i32>} : memref<8x512xf32, #tpu.memory_space<vmem>>, vector<16xf32>,
      %select_n3A_175 = arith.select %and3A_164, %div3A_103, %broadcast_in_dim3A_107 : vector<16xi1>, vector<16xf32>
      %swap3A_176 = arith.constant 3 : i32
      %swap3A_177 = arith.index_cast %swap3A_176 : i32 to index
      %swap3A_178 = arith.index_cast %mul3A_32 : i32 to index
      %swap3A_179 = tpu.vector_load %arg7[%swap3A_177, %swap3A_178] {strides = array<i32>} : memref<8x512xf32, #tpu.memory_space<vmem>>, vector<16xf32>,
      tpu.vector_store %arg7[%swap3A_177, %swap3A_178], %select_n3A_175 {strides = array<i32>} : memref<8x512xf32, #tpu.memory_space<vmem>>, vector<16xf32>,
      %eq3A_180 = arith.cmpf oeq, %div3A_94, %div3A_99 : vector<16xf32>
      %not3A_181 = arith.constant dense<true> : vector<16xi1>
      %not3A_182 = arith.xori %or3A_165, %not3A_181 : vector<16xi1>
      %and3A_183 = arith.andi %eq3A_180, %not3A_182 : vector<16xi1>
      %or3A_184 = arith.ori %or3A_165, %and3A_183 : vector<16xi1>
      %swap3A_185 = arith.constant 4 : i32
      %swap3A_186 = arith.index_cast %swap3A_185 : i32 to index
      %swap3A_187 = arith.index_cast %mul3A_32 : i32 to index
      %swap3A_188 = tpu.vector_load %arg9[%swap3A_186, %swap3A_187] {strides = array<i32>} : memref<8x512xf32, #tpu.memory_space<vmem>>, vector<16xf32>,
      tpu.vector_store %arg9[%swap3A_186, %swap3A_187], %div3A_94 {strides = array<i32>} : memref<8x512xf32, #tpu.memory_space<vmem>>, vector<16xf32>,
      %select_n3A_189 = arith.select %and3A_183, %broadcast_in_dim3A_105, %broadcast_in_dim3A_107 : vector<16xi1>, vector<16xf32>
      %swap3A_190 = arith.constant 4 : i32
      %swap3A_191 = arith.index_cast %swap3A_190 : i32 to index
      %swap3A_192 = arith.index_cast %mul3A_32 : i32 to index
      %swap3A_193 = tpu.vector_load %arg8[%swap3A_191, %swap3A_192] {strides = array<i32>} : memref<8x512xf32, #tpu.memory_space<vmem>>, vector<16xf32>,
      tpu.vector_store %arg8[%swap3A_191, %swap3A_192], %select_n3A_189 {strides = array<i32>} : memref<8x512xf32, #tpu.memory_space<vmem>>, vector<16xf32>,
      %select_n3A_194 = arith.select %and3A_183, %div3A_103, %broadcast_in_dim3A_107 : vector<16xi1>, vector<16xf32>
      %swap3A_195 = arith.constant 4 : i32
      %swap3A_196 = arith.index_cast %swap3A_195 : i32 to index
      %swap3A_197 = arith.index_cast %mul3A_32 : i32 to index
      %swap3A_198 = tpu.vector_load %arg7[%swap3A_196, %swap3A_197] {strides = array<i32>} : memref<8x512xf32, #tpu.memory_space<vmem>>, vector<16xf32>,
      tpu.vector_store %arg7[%swap3A_196, %swap3A_197], %select_n3A_194 {strides = array<i32>} : memref<8x512xf32, #tpu.memory_space<vmem>>, vector<16xf32>,
      %eq3A_199 = arith.cmpf oeq, %div3A_95, %div3A_99 : vector<16xf32>
      %not3A_200 = arith.constant dense<true> : vector<16xi1>
      %not3A_201 = arith.xori %or3A_184, %not3A_200 : vector<16xi1>
      %and3A_202 = arith.andi %eq3A_199, %not3A_201 : vector<16xi1>
      %or3A_203 = arith.ori %or3A_184, %and3A_202 : vector<16xi1>
      %swap3A_204 = arith.constant 5 : i32
      %swap3A_205 = arith.index_cast %swap3A_204 : i32 to index
      %swap3A_206 = arith.index_cast %mul3A_32 : i32 to index
      %swap3A_207 = tpu.vector_load %arg9[%swap3A_205, %swap3A_206] {strides = array<i32>} : memref<8x512xf32, #tpu.memory_space<vmem>>, vector<16xf32>,
      tpu.vector_store %arg9[%swap3A_205, %swap3A_206], %div3A_95 {strides = array<i32>} : memref<8x512xf32, #tpu.memory_space<vmem>>, vector<16xf32>,
      %select_n3A_208 = arith.select %and3A_202, %broadcast_in_dim3A_105, %broadcast_in_dim3A_107 : vector<16xi1>, vector<16xf32>
      %swap3A_209 = arith.constant 5 : i32
      %swap3A_210 = arith.index_cast %swap3A_209 : i32 to index
      %swap3A_211 = arith.index_cast %mul3A_32 : i32 to index
      %swap3A_212 = tpu.vector_load %arg8[%swap3A_210, %swap3A_211] {strides = array<i32>} : memref<8x512xf32, #tpu.memory_space<vmem>>, vector<16xf32>,
      tpu.vector_store %arg8[%swap3A_210, %swap3A_211], %select_n3A_208 {strides = array<i32>} : memref<8x512xf32, #tpu.memory_space<vmem>>, vector<16xf32>,
      %select_n3A_213 = arith.select %and3A_202, %div3A_103, %broadcast_in_dim3A_107 : vector<16xi1>, vector<16xf32>
      %swap3A_214 = arith.constant 5 : i32
      %swap3A_215 = arith.index_cast %swap3A_214 : i32 to index
      %swap3A_216 = arith.index_cast %mul3A_32 : i32 to index
      %swap3A_217 = tpu.vector_load %arg7[%swap3A_215, %swap3A_216] {strides = array<i32>} : memref<8x512xf32, #tpu.memory_space<vmem>>, vector<16xf32>,
      tpu.vector_store %arg7[%swap3A_215, %swap3A_216], %select_n3A_213 {strides = array<i32>} : memref<8x512xf32, #tpu.memory_space<vmem>>, vector<16xf32>,
      %eq3A_218 = arith.cmpf oeq, %div3A_96, %div3A_99 : vector<16xf32>
      %not3A_219 = arith.constant dense<true> : vector<16xi1>
      %not3A_220 = arith.xori %or3A_203, %not3A_219 : vector<16xi1>
      %and3A_221 = arith.andi %eq3A_218, %not3A_220 : vector<16xi1>
      %or3A_222 = arith.ori %or3A_203, %and3A_221 : vector<16xi1>
      %swap3A_223 = arith.constant 6 : i32
      %swap3A_224 = arith.index_cast %swap3A_223 : i32 to index
      %swap3A_225 = arith.index_cast %mul3A_32 : i32 to index
      %swap3A_226 = tpu.vector_load %arg9[%swap3A_224, %swap3A_225] {strides = array<i32>} : memref<8x512xf32, #tpu.memory_space<vmem>>, vector<16xf32>,
      tpu.vector_store %arg9[%swap3A_224, %swap3A_225], %div3A_96 {strides = array<i32>} : memref<8x512xf32, #tpu.memory_space<vmem>>, vector<16xf32>,
      %select_n3A_227 = arith.select %and3A_221, %broadcast_in_dim3A_105, %broadcast_in_dim3A_107 : vector<16xi1>, vector<16xf32>
      %swap3A_228 = arith.constant 6 : i32
      %swap3A_229 = arith.index_cast %swap3A_228 : i32 to index
      %swap3A_230 = arith.index_cast %mul3A_32 : i32 to index
      %swap3A_231 = tpu.vector_load %arg8[%swap3A_229, %swap3A_230] {strides = array<i32>} : memref<8x512xf32, #tpu.memory_space<vmem>>, vector<16xf32>,
      tpu.vector_store %arg8[%swap3A_229, %swap3A_230], %select_n3A_227 {strides = array<i32>} : memref<8x512xf32, #tpu.memory_space<vmem>>, vector<16xf32>,
      %select_n3A_232 = arith.select %and3A_221, %div3A_103, %broadcast_in_dim3A_107 : vector<16xi1>, vector<16xf32>
      %swap3A_233 = arith.constant 6 : i32
      %swap3A_234 = arith.index_cast %swap3A_233 : i32 to index
      %swap3A_235 = arith.index_cast %mul3A_32 : i32 to index
      %swap3A_236 = tpu.vector_load %arg7[%swap3A_234, %swap3A_235] {strides = array<i32>} : memref<8x512xf32, #tpu.memory_space<vmem>>, vector<16xf32>,
      tpu.vector_store %arg7[%swap3A_234, %swap3A_235], %select_n3A_232 {strides = array<i32>} : memref<8x512xf32, #tpu.memory_space<vmem>>, vector<16xf32>,
      %eq3A_237 = arith.cmpf oeq, %div3A_97, %div3A_99 : vector<16xf32>
      %not3A_238 = arith.constant dense<true> : vector<16xi1>
      %not3A_239 = arith.xori %or3A_222, %not3A_238 : vector<16xi1>
      %and3A_240 = arith.andi %eq3A_237, %not3A_239 : vector<16xi1>
      %or3A_241 = arith.ori %or3A_222, %and3A_240 : vector<16xi1>
      %swap3A_242 = arith.constant 7 : i32
      %swap3A_243 = arith.index_cast %swap3A_242 : i32 to index
      %swap3A_244 = arith.index_cast %mul3A_32 : i32 to index
      %swap3A_245 = tpu.vector_load %arg9[%swap3A_243, %swap3A_244] {strides = array<i32>} : memref<8x512xf32, #tpu.memory_space<vmem>>, vector<16xf32>,
      tpu.vector_store %arg9[%swap3A_243, %swap3A_244], %div3A_97 {strides = array<i32>} : memref<8x512xf32, #tpu.memory_space<vmem>>, vector<16xf32>,
      %select_n3A_246 = arith.select %and3A_240, %broadcast_in_dim3A_105, %broadcast_in_dim3A_107 : vector<16xi1>, vector<16xf32>
      %swap3A_247 = arith.constant 7 : i32
      %swap3A_248 = arith.index_cast %swap3A_247 : i32 to index
      %swap3A_249 = arith.index_cast %mul3A_32 : i32 to index
      %swap3A_250 = tpu.vector_load %arg8[%swap3A_248, %swap3A_249] {strides = array<i32>} : memref<8x512xf32, #tpu.memory_space<vmem>>, vector<16xf32>,
      tpu.vector_store %arg8[%swap3A_248, %swap3A_249], %select_n3A_246 {strides = array<i32>} : memref<8x512xf32, #tpu.memory_space<vmem>>, vector<16xf32>,
      %select_n3A_251 = arith.select %and3A_240, %div3A_103, %broadcast_in_dim3A_107 : vector<16xi1>, vector<16xf32>
      %swap3A_252 = arith.constant 7 : i32
      %swap3A_253 = arith.index_cast %swap3A_252 : i32 to index
      %swap3A_254 = arith.index_cast %mul3A_32 : i32 to index
      %swap3A_255 = tpu.vector_load %arg7[%swap3A_253, %swap3A_254] {strides = array<i32>} : memref<8x512xf32, #tpu.memory_space<vmem>>, vector<16xf32>,
      tpu.vector_store %arg7[%swap3A_253, %swap3A_254], %select_n3A_251 {strides = array<i32>} : memref<8x512xf32, #tpu.memory_space<vmem>>, vector<16xf32>,
    }
    %scan3A_7 = arith.constant 32 : i32
    %dma_start3A = arith.constant 0 : i32
    %dma_start3A_8 = tpu.memref_slice %arg3[%dma_start3A, %mul3A_2] : memref<8x16384xf32, #tpu.memory_space<hbm>> -> memref<8x512xf32, #tpu.memory_space<hbm>>
    %dma_start3A_9 = arith.constant 0 : i32
    %dma_start3A_10 = tpu.memref_slice %arg3[%dma_start3A_9, %mul3A_2] : memref<8x16384xf32, #tpu.memory_space<hbm>> -> memref<8x512xf32, #tpu.memory_space<hbm>>
    tpu.enqueue_dma source(%arg7 : memref<8x512xf32, #tpu.memory_space<vmem>>) target(%dma_start3A_10 : memref<8x512xf32, #tpu.memory_space<hbm>>) target_semaphore(%arg10 : memref<!tpu.dma_semaphore, #tpu.memory_space<semaphore_mem>>)
    %dma_start3A_11 = arith.constant 0 : i32
    %dma_start3A_12 = tpu.memref_slice %arg4[%dma_start3A_11, %mul3A_2] : memref<8x16384xf32, #tpu.memory_space<hbm>> -> memref<8x512xf32, #tpu.memory_space<hbm>>
    %dma_start3A_13 = arith.constant 0 : i32
    %dma_start3A_14 = tpu.memref_slice %arg4[%dma_start3A_13, %mul3A_2] : memref<8x16384xf32, #tpu.memory_space<hbm>> -> memref<8x512xf32, #tpu.memory_space<hbm>>
    tpu.enqueue_dma source(%arg8 : memref<8x512xf32, #tpu.memory_space<vmem>>) target(%dma_start3A_14 : memref<8x512xf32, #tpu.memory_space<hbm>>) target_semaphore(%arg10 : memref<!tpu.dma_semaphore, #tpu.memory_space<semaphore_mem>>)
    %dma_start3A_15 = arith.constant 0 : i32
    %dma_start3A_16 = tpu.memref_slice %arg5[%dma_start3A_15, %mul3A_2] : memref<8x16384xf32, #tpu.memory_space<hbm>> -> memref<8x512xf32, #tpu.memory_space<hbm>>
    %dma_start3A_17 = arith.constant 0 : i32
    %dma_start3A_18 = tpu.memref_slice %arg5[%dma_start3A_17, %mul3A_2] : memref<8x16384xf32, #tpu.memory_space<hbm>> -> memref<8x512xf32, #tpu.memory_space<hbm>>
    tpu.enqueue_dma source(%arg9 : memref<8x512xf32, #tpu.memory_space<vmem>>) target(%dma_start3A_18 : memref<8x512xf32, #tpu.memory_space<hbm>>) target_semaphore(%arg10 : memref<!tpu.dma_semaphore, #tpu.memory_space<semaphore_mem>>)
    %dma_wait3A = arith.constant 0 : i32
    %dma_wait3A_19 = tpu.memref_slice %arg3[%dma_wait3A, %mul3A_2] : memref<8x16384xf32, #tpu.memory_space<hbm>> -> memref<8x512xf32, #tpu.memory_space<hbm>>
    %dma_wait3A_20 = arith.constant 0 : i32
    %dma_wait3A_21 = tpu.memref_slice %arg3[%dma_wait3A_20, %mul3A_2] : memref<8x16384xf32, #tpu.memory_space<hbm>> -> memref<8x512xf32, #tpu.memory_space<hbm>>
    tpu.wait_dma2 semaphore(%arg10 : memref<!tpu.dma_semaphore, #tpu.memory_space<semaphore_mem>>) src(%arg7 : memref<8x512xf32, #tpu.memory_space<vmem>>) dst(%dma_wait3A_21 : memref<8x512xf32, #tpu.memory_space<hbm>>)
    %dma_wait3A_22 = arith.constant 0 : i32
    %dma_wait3A_23 = tpu.memref_slice %arg4[%dma_wait3A_22, %mul3A_2] : memref<8x16384xf32, #tpu.memory_space<hbm>> -> memref<8x512xf32, #tpu.memory_space<hbm>>
    %dma_wait3A_24 = arith.constant 0 : i32
    %dma_wait3A_25 = tpu.memref_slice %arg4[%dma_wait3A_24, %mul3A_2] : memref<8x16384xf32, #tpu.memory_space<hbm>> -> memref<8x512xf32, #tpu.memory_space<hbm>>
    tpu.wait_dma2 semaphore(%arg10 : memref<!tpu.dma_semaphore, #tpu.memory_space<semaphore_mem>>) src(%arg8 : memref<8x512xf32, #tpu.memory_space<vmem>>) dst(%dma_wait3A_25 : memref<8x512xf32, #tpu.memory_space<hbm>>)
    %dma_wait3A_26 = arith.constant 0 : i32
    %dma_wait3A_27 = tpu.memref_slice %arg5[%dma_wait3A_26, %mul3A_2] : memref<8x16384xf32, #tpu.memory_space<hbm>> -> memref<8x512xf32, #tpu.memory_space<hbm>>
    %dma_wait3A_28 = arith.constant 0 : i32
    %dma_wait3A_29 = tpu.memref_slice %arg5[%dma_wait3A_28, %mul3A_2] : memref<8x16384xf32, #tpu.memory_space<hbm>> -> memref<8x512xf32, #tpu.memory_space<hbm>>
    tpu.wait_dma2 semaphore(%arg10 : memref<!tpu.dma_semaphore, #tpu.memory_space<semaphore_mem>>) src(%arg9 : memref<8x512xf32, #tpu.memory_space<vmem>>) dst(%dma_wait3A_29 : memref<8x512xf32, #tpu.memory_space<hbm>>)
    return
  }
}

module attributes {stable_mosaic.version = 14 : i64} {
  func.func @_logits_body(%arg0: i32, %arg1: memref<1024x2048xf32, #tpu.memory_space<vmem>>, %arg2: memref<8x2048xf32, #tpu.memory_space<vmem>>, %arg3: memref<8x16384xf32, #tpu.memory_space<vmem>>) attributes {dimension_semantics = [#tpu.dimension_semantics<arbitrary>], iteration_bounds = array<i64: 16>, scalar_prefetch = 0 : i64, scratch_operands = 0 : i64, tpu.core_type = #tpu.core_type<tc>, window_params = [{transform_indices = @transform_0, window_bounds = array<i64: 1024, 2048>}, {pipeline_mode = #tpu.pipeline_mode<synchronous>, transform_indices = @transform_1, window_bounds = array<i64: 8, 2048>}, {pipeline_mode = #tpu.pipeline_mode<synchronous>, transform_indices = @transform_2, window_bounds = array<i64: 8, 16384>}]} {
    %get3A = arith.constant 0 : index
    %get3A_0 = arith.constant 0 : index
    %get3A_1 = vector.load %arg2[%get3A, %get3A_0] : memref<8x2048xf32, #tpu.memory_space<vmem>>, vector<8x2048xf32>
    %get3A_2 = arith.constant 0 : index
    %get3A_3 = arith.constant 0 : index
    %get3A_4 = vector.load %arg1[%get3A_2, %get3A_3] : memref<1024x2048xf32, #tpu.memory_space<vmem>>, vector<1024x2048xf32>
    %dot_general3A = arith.constant dense<0.000000e+00> : vector<8x1024xf32>
    %dot_general3A_5 = tpu.matmul %get3A_1, %get3A_4, %dot_general3A {dimension_numbers = #tpu.dot_dimension_numbers<[1], [1], [0], [0], [0, 0, 1, 0], [], []>, transpose_lhs_hint = false} : vector<8x2048xf32>, vector<1024x2048xf32>, vector<8x1024xf32> -> vector<8x1024xf32>
    %mul3A = arith.constant 1024 : i32
    %mul3A_6 = arith.muli %arg0, %mul3A : i32
    %swap3A = arith.constant 0 : index
    %swap3A_7 = arith.index_cast %mul3A_6 : i32 to index
    %swap3A_8 = vector.load %arg3[%swap3A, %swap3A_7] : memref<8x16384xf32, #tpu.memory_space<vmem>>, vector<8x1024xf32>
    tpu.vector_store %arg3[%swap3A, %swap3A_7], %dot_general3A_5 {strides = array<i32>} : memref<8x16384xf32, #tpu.memory_space<vmem>>, vector<8x1024xf32>,
    return
  }
  func.func @transform_0(%arg0: i32) -> (i32, i32) {
    %c0_i32 = arith.constant 0 : i32
    %c0_i32_0 = arith.constant 0 : i32
    return %arg0, %c0_i32 : i32, i32
  }
  func.func @transform_1(%arg0: i32) -> (i32, i32) {
    %c0_i32 = arith.constant 0 : i32
    %c0_i32_0 = arith.constant 0 : i32
    %c0_i32_1 = arith.constant 0 : i32
    return %c0_i32, %c0_i32_0 : i32, i32
  }
  func.func @transform_2(%arg0: i32) -> (i32, i32) {
    %c0_i32 = arith.constant 0 : i32
    %c0_i32_0 = arith.constant 0 : i32
    %c0_i32_1 = arith.constant 0 : i32
    return %c0_i32, %c0_i32_0 : i32, i32
  }
}

</mosaic_0001>

<sc_bundles>
// kernel: kernel.4.cloned.1.call-start
scs
__scs_entry_jumppad:
0x0: {  	(pc) =	sbr.rel $0x88, $3  }
0x1: {  	(tag) =	ssettag $0x0;
	lr =	simm.s32 $0x1  }
0x2: {  	[smem:$0x3F9F] =	sst lr;
	_ =	strace $0xD0000000  }
0x3: {  	_ = 	snop  }
0x4: {  	_ = 	snop  }
0x5: {  	_ = 	snop  }
0x6: {  	_ = 	snop  }
0x7: {  	_ = 	snop  }
__scs_overlays_trampoline_lowered:
0x8: {  	[smem:$0x3FAE] =	sst s0  }
0x9: {  	[smem:$0x3FAF] =	sst s1  }
0xa: {  	[smem:$0x3FB0] =	sst s2  }
0xb: {  	[smem:$0x3FB1] =	sst s3  }
0xc: {  	[smem:$0x3FB2] =	sst s4  }
0xd: {  	[smem:$0x3FB3] =	sst s5  }
0xe: {  	[smem:$0x3FB4] =	sst s6  }
0xf: {  	[smem:$0x3FB5] =	sst s7  }
0x10: {  	[smem:$0x3FB6] =	sst s8  }
0x11: {  	[smem:$0x3FB7] =	sst s9;
	s0 =	simm.s32 @!p0 $0x0  }
0x12: {  	s1 =	sld [smem:$0x3F9D];
	s0 =	simm.s32 @p0 $0x1  }
0x13: {  	[smem:$0x3FB8] =	sst s0;
	s0 =	simm.s32 @!p1 $0x0  }
0x14: {  	s2 =	sld [smem:$0x3F9C];
	s0 =	simm.s32 @p1 $0x1  }
0x15: {  	[smem:$0x3FB9] =	sst s0;
	s0 =	simm.s32 @!p2 $0x0  }
0x16: {  	s3 =	sld [smem:$0x3FDB];
	s0 =	simm.s32 @p2 $0x1  }
0x17: {  	s4 =	simm.s32 $0x1BF5;
	[smem:$0x3FBB] =	sst s0  }
0x18: {  	s0 =	sld [smem:$0x3F9E];
	_ =	swait.ge [sflag:s4], $0x0  }
0x19: {  	s7 =	sld [smem:$0x3F9F]  }
0x1a: {  	s8 =	sadd.s32 $0xFFFFE003, lr  }
0x1b: {  	s9 =	sadd.s32 $0xFFFFFEF7, lr;
	s5 =	simm.s32 $0xFFFFFFFF;
	p2 =	slt.u32 s8, $0xFFFFF086  }
0x1c: {  	p1 =	slt.u32 s9, $0xF7A;
	s5 =	simm.s32 @!p2 $0x0  }
0x1d: {  	s5 =	simm.s32 @p1 $0x1;
	p0 =	seq.s32 s7, s2  }
0x1e: {  	s7 =	smul.u32 @!p0 $0xF7A, s2;
	p2 =	seq.s32 @!p0 s5, $0x0  }
0x1f: {  	s9 =	smul.u32 $0xF7A, s1;
	s8 =	simm.s32 @!p0 $0x1BF5;
	p2 =	por !p2, p0  }
0x20: {  	[sflag:s8] =	ssyncset.s32 @!p0 $0xFFFFF086;
	s6 =	sadd.s32 @!p0 s3, s7;
	s7 =	simm.s32 @!p0 $0x108  }
0x21: {  	s3 =	sadd.s32 s3, s9;
	s6 =	sadd.s32 @!p0 $0x88, s6;
	s7 =	simm.s32 @p2 $0x1082  }
0x22: {  	[simem:s7], [sflag:s8] =	dma.local @!p0 [hbm:s6], $0xF7A  }
0x23: {  	s9 =	sor.u32 $0xD0000000, s2;
	s6 =	simm.s32 $0x108;
	_ =	swait.ge @!p0 [sflag:s8], $0x0  }
0x24: {  	s3 =	sadd.s32 $0x88, s3;
	s6 =	simm.s32 @!p1 $0x1082;
	[sflag:s4] =	ssyncset.s32 $0xFFFFF086  }
0x25: {  	[simem:s6], [sflag:s4] =	dma.local [hbm:s3], $0xF7A  }
0x26: {  	[smem:$0x3F9F] =	sst s1;
	(tag) =	ssettag s2;
	_ =	strace s9  }
0x27: {  	s1 =	sld [smem:$0x3FAF]  }
0x28: {  	s2 =	sld [smem:$0x3FB0]  }
0x29: {  	s4 =	sld [smem:$0x3FB2]  }
0x2a: {  	p0 =	seq.s32 s5, $0x0;
	s5 =	sld [smem:$0x3FB3]  }
0x2b: {  	s6 =	sld [smem:$0x3FB4]  }
0x2c: {  	s7 =	sld [smem:$0x3FB5]  }
0x2d: {  	s3 =	simm.s32 $0x108;
	s8 =	sld [smem:$0x3FB6]  }
0x2e: {  	s3 =	simm.s32 @!p0 $0x1082;
	s9 =	sld [smem:$0x3FB7]  }
0x2f: {  	lr =	sadd.s32 s0, s3;
	s0 =	sld [smem:$0x3FAE]  }
0x30: {  	s3 =	sld [smem:$0x3FB1]  }
0x31: {  	[smem:$0x3FBA] =	sst s10  }
0x32: {  	s10 =	sld [smem:$0x3FB8];
	_ =	sdelay $0x3  }
0x33: {  	p0 =	seq.s32 s10, $0x1;
	s10 =	sld [smem:$0x3FBA];
	_ =	sdelay $0x3  }
0x34: {  	[smem:$0x3FBA] =	sst s10  }
0x35: {  	s10 =	sld [smem:$0x3FB9];
	_ =	sdelay $0x3  }
0x36: {  	p1 =	seq.s32 s10, $0x1;
	s10 =	sld [smem:$0x3FBA];
	_ =	sdelay $0x3  }
0x37: {  	[smem:$0x3FBA] =	sst s10  }
0x38: {  	s10 =	sld [smem:$0x3FBB]  }
0x39: {  	_ = 	snop;
	(pc) =	sbr.ind lr, $3  }
0x3a: {  	_ = 	snop  }
0x3b: {  	_ = 	snop  }
0x3c: {  	p2 =	seq.s32 s10, $0x1;
	s10 =	sld [smem:$0x3FBA]  }
0x3d: {  	_ =	shalt  }
0x3e: {  	_ =	shalt  }
0x3f: {  	_ =	shalt  }
0x40: {  	_ =	shalt  }
0x41: {  	_ =	shalt  }
0x42: {  	_ =	shalt  }
0x43: {  	_ =	shalt  }
0x44: {  	_ =	shalt  }
0x45: {  	_ =	shalt  }
0x46: {  	_ =	shalt  }
0x47: {  	_ =	shalt  }
0x48: {  	_ =	shalt  }
0x49: {  	_ =	shalt  }
0x4a: {  	_ =	shalt  }
0x4b: {  	_ =	shalt  }
0x4c: {  	_ =	shalt  }
0x4d: {  	_ =	shalt  }
0x4e: {  	_ =	shalt  }
0x4f: {  	_ =	shalt  }
0x50: {  	_ =	shalt  }
0x51: {  	_ =	shalt  }
0x52: {  	_ =	shalt  }
0x53: {  	_ =	shalt  }
0x54: {  	_ =	shalt  }
0x55: {  	_ =	shalt  }
0x56: {  	_ =	shalt  }
0x57: {  	_ =	shalt  }
0x58: {  	_ =	shalt  }
0x59: {  	_ =	shalt  }
0x5a: {  	_ =	shalt  }
0x5b: {  	_ =	shalt  }
0x5c: {  	_ =	shalt  }
0x5d: {  	_ =	shalt  }
0x5e: {  	_ =	shalt  }
0x5f: {  	_ =	shalt  }
0x60: {  	_ =	shalt  }
0x61: {  	_ =	shalt  }
0x62: {  	_ =	shalt  }
0x63: {  	_ =	shalt  }
0x64: {  	_ =	shalt  }
0x65: {  	_ =	shalt  }
0x66: {  	_ =	shalt  }
0x67: {  	_ =	shalt  }
0x68: {  	_ =	shalt  }
0x69: {  	_ =	shalt  }
0x6a: {  	_ =	shalt  }
0x6b: {  	_ =	shalt  }
0x6c: {  	_ =	shalt  }
0x6d: {  	_ =	shalt  }
0x6e: {  	_ =	shalt  }
0x6f: {  	_ =	shalt  }
0x70: {  	_ =	shalt  }
0x71: {  	_ =	shalt  }
0x72: {  	_ =	shalt  }
0x73: {  	_ =	shalt  }
0x74: {  	_ =	shalt  }
0x75: {  	_ =	shalt  }
0x76: {  	_ =	shalt  }
0x77: {  	_ =	shalt  }
0x78: {  	_ =	shalt  }
0x79: {  	_ =	shalt  }
0x7a: {  	_ =	shalt  }
0x7b: {  	_ =	shalt  }
0x7c: {  	_ =	shalt  }
0x7d: {  	_ =	shalt  }
0x7e: {  	_ =	shalt  }
0x7f: {  	_ =	shalt  }
0x80: {  	_ =	shalt  }
0x81: {  	_ =	shalt  }
0x82: {  	_ =	shalt  }
0x83: {  	_ =	shalt  }
0x84: {  	_ =	shalt  }
0x85: {  	_ =	shalt  }
0x86: {  	_ =	shalt  }
0x87: {  	_ =	shalt  }
.Lfunc_end0:
.L_simem_size_0:
called_computation_lowered:
.L_overlay_start_0:
0x88: {  	s2 =	sld [smem:$0x3FD9]  }
0x89: {  	s3 =	sld [smem:$0x3FFE];
	_ =	sdelay $0x1  }
0x8a: {  	s1 =	srdreg.scid  }
0x8b: {  	s0 =	sand.u32 $0x1, s1  }
0x8c: {  	s14 =	sshll.u32 s0, $0xA;
	s2 =	sadd.s32 s3, s2  }
0x8d: {  	s2 =	sadd.s32 s2, s14  }
0x8e: {  	[smem:$0x3FC6] =	sst s2  }
0x8f: {  	_ = 	snop  }
0x90: {  	s2 =	sld [smem:$0x3FD0];
	_ =	sdelay $0x2  }
0x91: {  	s15 =	simm.s32 $0xA;
	s4 =	simm.s32 $0x10  }
0x92: {  	[smem:s4], [sflag:s15] =	dma.local [hbm:s2], $0x1  }
0x93: {  	_ =	swait.eq [sflag:s15], $0x1  }
0x94: {  	s16 =	sld [smem:$0x10];
	[sflag:s15] =	ssyncset.done $0x0  }
0x95: {  	s17 =	sld [smem:$0x11];
	[sflag:s15] =	ssyncadd.s32 $0xFFFFFFFF  }
0x96: {  	s18 =	sld [smem:$0x12];
	(tm) =	ssettm $0x1  }
0x97: {  	s5 =	sld [smem:$0x3FFB];
	_ =	sdelay $0x3  }
0x98: {  	_ =	strace s5  }
0x99: {  	s5 =	sld [smem:$0x3FFC];
	_ =	sdelay $0x3  }
0x9a: {  	_ =	strace s5  }
0x9b: {  	s5 =	sld [smem:$0x3FFD];
	_ =	sdelay $0x3  }
0x9c: {  	_ =	strace s5  }
0x9d: {  	_ =	strace $0x8FFFFFFF  }
0x9e: {  	s19 =	sld [smem:$0x3FDB];
	_ =	sdelay $0x1  }
0x9f: {  	s6 =	simm.s32 $_scs_section_size  }
0xa0: {  	s7 =	simm.s32 $_size__tile_overlayer_lowered;
	s8 =	simm.s32 $_tile_overlayer_lowered  }
0xa1: {  	s22 =	simm.s32 $0x1BFF;
	s21 =	sshll.u32 s8, $0x1;
	s5 =	sadd.s32 s6, s19  }
0xa2: {  	s9 =	simm.s32 $0x0;
	s20 =	sshll.u32 s7, $0x1;
	s7 =	sadd.s32 s21, s5  }
0xa3: {  	[timem:s9], [sflag:s22] =	dma.local [hbm:s7], s20  }
0xa4: {  	_ =	swait.ge [sflag:s22], s20  }
0xa5: {  	s6 =	ssub.s32 $0x0, s20;
	[sflag:s22] =	ssyncset.done $0x0  }
0xa6: {  	[sflag:s22] =	ssyncadd.s32 s6;
	_ =	sdelay $0x1  }
0xa7: {  	s23 =	simm.s32 $0x1B8B  }
0xa8: {  	_ =	swait.ge [sflag:s23], $0x1  }
0xa9: {  	[sflag:s23] =	ssyncset.done $0x0  }
0xaa: {  	s25 =	simm.s32 $0x1B8E;
	s24 =	sld [smem:$0x3FFE];
	[sflag:s23] =	ssyncadd.s32 $0xFFFFFFFF  }
0xab: {  	s26 =	simm.s32 $execute0_lowered;
	[smem:$0x3FD2] =	sst s25  }
0xac: {  	s7 =	sshll.u32 s26, $0x1;
	_ =	strace $0x80000046;
	[dreg:$0x1] =	wrdreg $0xFFFFFFFF  }
0xad: {  	s28 =	simm.s32 $_size_execute0_lowered;
	s5 =	sadd.s32 s5, s7;
	[dreg:$0x0] =	wrdreg $0x0  }
0xae: {  	s7 =	sshll.u32 s28, $0x1;
	[dreg:$0x2] =	wrdreg s5  }
0xaf: {  	[dreg:$0x3] =	wrdreg s7  }
0xb0: {  	[dreg:$0x4] =	wrdreg $0xC0  }
0xb1: {  	_ =	task [dreg:s9], $0x5FFFF  }
0xb2: {  	[dreg:$0x1] =	wrdreg $0xFFFFFFFF  }
0xb3: {  	[dreg:$0x0] =	wrdreg $0x60  }
0xb4: {  	[dreg:$0x2] =	wrdreg s24  }
0xb5: {  	[dreg:$0x3] =	wrdreg s16  }
0xb6: {  	[dreg:$0x4] =	wrdreg s17  }
0xb7: {  	[dreg:$0x5] =	wrdreg s18  }
0xb8: {  	[dreg:$0x6] =	wrdreg $0x9  }
0xb9: {  	_ =	task.clear_ibuf [dreg:s9], $0x7FFFF;
	_ =	strace $0x90000046  }
0xba: {  	s29 =	simm.s32 $0x9;
	_ =	strace $0x80000048  }
0xbb: {  	_ =	swait.ge [sflag:s29], $0x1  }
0xbc: {  	[sflag:s29] =	ssyncadd.s32 $0xFFFFFFFF  }
0xbd: {  	_ =	strace $0x90000048  }
0xbe: {  	_ =	sfence  }
0xbf: {  	s30 =	sld [smem:$0x0];
	_ =	sdelay $0x2  }
0xc0: {  	s31 =	sshll.u32 s1, $0xD;
	s1 =	sshrl.u32 s1, $0x2  }
0xc1: {  	s3 =	sand.u32 $0x4000, s31;
	s1 =	sadd.s32 s1, s30  }
0xc2: {  	s0 =	sor.u32 s3, s0;
	s1 =	sshll.u32 s1, $0x11  }
0xc3: {  	s0 =	sor.u32 s1, s0  }
0xc4: {  	s0 =	sadd.s32 $0x8F2B, s0  }
0xc5: {  	[sflag:s0] =	ssyncadd.remote.s32 $0x1  }
0xc6: {  	_ =	sfence.sel $0xFFFF  }
0xc7: {  	[dreg:$0x0] =	wrdreg $0xFFFFFFFF;
	(pc) =	sbr.abs _section_cstart, $3  }
0xc8: {  	[dreg:$0x1] =	wrdreg $0xFFFFFFFF  }
0xc9: {  	_ =	task.clear_ibuf [dreg:s9], $0x2FFFF;
	_ =	strace $0x9FFFFFFF  }
0xca: {  	(tm) =	ssettm $0x7FFFFFFF  }
0xcb: {  	_ =	shalt  }
tec
execute0_lowered:
.L_overlay_start_1:
0x0: {  	(tag) =	ssettag $0x1  }
0x1: {  	s3 =	rddreg [dreg:$0x0]  }
0x2: {  	s4 =	rddreg [dreg:$0x1]  }
0x3: {  	s5 =	rddreg [dreg:$0x2]  }
0x4: {  	s6 =	rddreg [dreg:$0x3];
	s2 =	srdreg.scid  }
0x5: {  	s0 =	rddreg [dreg:$0x4];
	s1 =	stileid.u32;
	s10 =	simm.s32 $0x2000  }
0x6: {  	s11 =	simm.s32 $0x3000;
	s12 =	simm.s32 $0x1;
	s13 =	simm.s32 $0x0  }
0x7: {  	s7 =	sand.u32 $0x1, s2;
	s2 =	simm.s32 $0x0;
	s8 =	sshll.u32 s1, $0xA  }
0x8: {  	s9 =	sshll.u32 s7, $0x9;
	[smem:$0x7FF] =	sst s2;
	s7 =	ssub.s32 $0x2, s7  }
0x9: {  	s8 =	sor.u32 s9, s8;
	_ =	strace $0x80000047;
	s31 =	sshrl.u32 s7, $0x1  }
0xa: {  	s9 =	simm.s32 $0x1000;
	s3 =	sadd.s32 s8, s3;
	s7 =	ssub.s32 s7, s31  }
0xb: {  	s4 =	sadd.s32 s4, s8;
	s5 =	sadd.s32 s5, s8;
	s6 =	sadd.s32 s6, s8  }
0xc: {  	v0 =	vimm.f32 $0.0e+00;
	v1 =	vimm.f32 $1.000000000e+00;
	s8 =	simm.s32 $0x2;
	s3 =	sadd.s32 $0xC00, s3;
	s7 =	smax.u32 s7, $0x1  }
.LBB2_1:
0xd: {  	[tilespmem:s2], [sflag:$0x2] =	stream.linear.gather [hbm4b:s3+s2], $0x1000, $0x38;
	[tilespmem:$0x4000] =	vst v63  }
0xe: {  	_ =	swait.ge [sflag:s8], $0x1000  }
0xf: {  	s14 =	sand.u32 $0x70, s2;
	s15 =	sand.u32 $0xC00, s2;
	[sflag:s8] =	ssyncset.done $0x0  }
0x10: {  	s14 =	sor.u32 s14, s15;
	[sflag:s8] =	ssyncadd.s32 $0xFFFFF000  }
0x11: {  	v2 =	vld [tilespmem:s14+$0x0]  }
0x12: {  	s15 =	sor.u32 s15, s2;
	v3 =	vld [tilespmem:s14+$0x80]  }
0x13: {  	s16 =	sor.u32 $0x180, s15;
	v4 =	vld [tilespmem:s14+$0x100]  }
0x14: {  	v5 =	vld [tilespmem:s16+$0x0]  }
0x15: {  	v6 =	vld [tilespmem:s14+$0x200]  }
0x16: {  	s31 =	sor.u32 s2, s2;
	v7 =	vld [tilespmem:s14+$0x280]  }
0x17: {  	s15 =	sor.u32 $0x380, s31;
	v8 =	vld [tilespmem:s14+$0x300];
	v9 =	vmax.f32 v2, v3  }
0x18: {  	v10 =	vld [tilespmem:s15+$0x0];
	v9 =	vmax.f32 v9, v4  }
0x19: {  	v9 =	vmax.f32 v9, v5  }
0x1a: {  	v9 =	vmax.f32 v9, v6  }
0x1b: {  	v9 =	vmax.f32 v9, v7  }
0x1c: {  	v9 =	vmax.f32 v9, v8  }
0x1d: {  	v9 =	vmax.f32 v9, v10  }
0x1e: {  	v2 =	vsub.f32 v2, v9  }
0x1f: {  	v3 =	vsub.f32 v3, v9  }
0x20: {  	v2 =	vmul.f32 $1.442695020e+00, v2  }
0x21: {  	v4 =	vsub.f32 v4, v9;
	v3 =	vmul.f32 $1.442695020e+00, v3  }
0x22: {  	(erf) = vpow2.f32 v2  }
0x23: {  	v4 =	vmul.f32 $1.442695020e+00, v4;
	v2 =	vsub.f32 v5, v9;
	(erf) = vpow2.f32 v3;
	_ =	sdelay $0x1  }
0x24: {  	v3 =	vsub.f32 v6, v9;
	v2 =	vmul.f32 $1.442695020e+00, v2;
	(erf) = vpow2.f32 v4  }
0x25: {  	v4 =	vsub.f32 v7, v9  }
0x26: {  	v3 =	vmul.f32 $1.442695020e+00, v3;
	(erf) = vpow2.f32 v2  }
0x27: {  	v2 =	vsub.f32 v8, v9;
	v4 =	vmul.f32 $1.442695020e+00, v4  }
0x28: {  	(erf) = vpow2.f32 v3  }
0x29: {  	v3 =	vsub.f32 v10, v9;
	v2 =	vmul.f32 $1.442695020e+00, v2  }
0x2a: {  	v5 =	vpop (erf);
	(erf) = vpow2.f32 v4  }
0x2b: {  	v3 =	vmul.f32 $1.442695020e+00, v3;
	v4 =	vpop (erf)  }
0x2c: {  	(erf) = vpow2.f32 v2;
	v6 =	vadd.f32 v4, v5  }
0x2d: {  	v2 =	vpop (erf)  }
0x2e: {  	(erf) = vpow2.f32 v3;
	v6 =	vadd.f32 v6, v2  }
0x2f: {  	v3 =	vpop (erf)  }
0x30: {  	v6 =	vadd.f32 v6, v3  }
0x31: {  	v7 =	vpop (erf)  }
0x32: {  	v6 =	vadd.f32 v6, v7  }
0x33: {  	v8 =	vpop (erf)  }
0x34: {  	v6 =	vadd.f32 v6, v8  }
0x35: {  	v9 =	vpop (erf)  }
0x36: {  	v6 =	vadd.f32 v6, v9  }
0x37: {  	v10 =	vpop (erf)  }
0x38: {  	v6 =	vadd.f32 v6, v10;
	_ =	sdelay $0x1  }
0x39: {  	(erf) = vrcp.f32 v6;
	_ =	sdelay $0x8  }
0x3a: {  	v11 =	vpop (erf)  }
0x3b: {  	v6 =	vadd.f32 $9.999999930e-09, v11  }
0x3c: {  	v12 =	vmul.f32 v11, v5  }
0x3d: {  	v3 =	vmul.f32 v11, v3;
	(erf) = vrcp.f32 v6  }
0x3e: {  	v13 =	vmul.f32 v11, v4;
	v14 =	vmul.f32 v11, v2  }
0x3f: {  	v2 =	vmul.f32 v11, v8;
	v4 =	vmul.f32 v11, v9  }
0x40: {  	v5 =	vmul.f32 v11, v10;
	vm8 =	vne.f32 v12, v11;
	vm7 =	veq.f32 v12, v11  }
0x41: {  	vm9 =	veq.f32 v13, v11;
	vm10 =	veq.f32 v14, v11;
	v6 =	vmul.f32 v11, v7  }
0x42: {  	vm0 =	veq.f32 v3, v11;
	vm4 =	vmor vm7, vm9;
	v8 =	vsel vm7, $0x3F800000, v0  }
0x43: {  	vm8 =	vmand vm9, vm8;
	vm1 =	vmor vm10, vm4;
	vm11 =	veq.f32 v6, v11  }
0x44: {  	vm14 =	vmneg vm4;
	vm4 =	vne.f32 v5, v11;
	vm2 =	vmneg vm1  }
0x45: {  	vm3 =	vmor vm0, vm1;
	vm1 =	veq.f32 v4, v11;
	vm15 =	vmand vm10, vm14  }
0x46: {  	[tilespmem:s14+$0x3000] =	vst v12;
	vm5 =	vmand vm0, vm2;
	vm0 =	vmor vm11, vm3;
	vm2 =	veq.f32 v2, v11;
	v7 =	vpop (erf)  }
0x47: {  	[tilespmem:s14+$0x3100] =	vst v14;
	vm6 =	vmneg vm0;
	vm0 =	vmor vm2, vm0;
	v7 =	vmul.f32 v7, v11  }
0x48: {  	[tilespmem:s14+$0x3080] =	vst v13;
	vm12 =	vmneg vm3;
	vm3 =	vmand vm2, vm6;
	vm6 =	vmneg vm0  }
0x49: {  	[tilespmem:s14+$0x2000] =	vst v8;
	vm2 =	vmand vm11, vm12;
	v11 =	vsel vm8, $0x3F800000, v0;
	v10 =	vnsel vm7, $0x0, v7  }
0x4a: {  	s17 =	simm.s32 $0x10;
	s18 =	simm.s32 $0x0;
	v8 =	vnsel vm8, $0x0, v7;
	v9 =	vnsel vm15, $0x0, v7;
	[tilespmem:s14+$0x1000] =	vst v10;
	v10 =	vsel vm15, $0x3F800000, v0  }
.LBB2_2:
0x4b: {  	p0 =	sne.s32 s17, $0x1F0  }
0x4c: {  	[tilespmem:s14+$0x2080] =	vst v11;
	s18 =	sadd.s32 $0x80, s18;
	s19 =	smov.u32 s17;
	s17 =	sadd.s32 $0x10, s17  }
0x4d: {  	[tilespmem:s14+$0x2100] =	vst v10  }
0x4e: {  	[tilespmem:s14+$0x1100] =	vst v9  }
0x4f: {  	[tilespmem:s14+$0x1080] =	vst v8  }
0x50: {  	[tilespmem:s16+$0x3000] =	vst v3;
	v3 =	vsel vm5, $0x3F800000, v0  }
0x51: {  	[tilespmem:s16+$0x2000] =	vst v3;
	v3 =	vnsel vm5, $0x0, v7;
	vm5 =	vmand vm1, vm6  }
0x52: {  	[tilespmem:s16+$0x1000] =	vst v3;
	v3 =	vnsel vm5, $0x0, v7  }
0x53: {  	[tilespmem:s14+$0x3200] =	vst v6  }
0x54: {  	v6 =	vsel vm5, $0x3F800000, v0;
	[tilespmem:s14+$0x1300] =	vst v3  }
0x55: {  	[tilespmem:s14+$0x2300] =	vst v6  }
0x56: {  	v3 =	vsel vm3, $0x3F800000, v0;
	[tilespmem:s14+$0x3300] =	vst v4  }
0x57: {  	[tilespmem:s14+$0x2280] =	vst v3  }
0x58: {  	[tilespmem:s14+$0x3280] =	vst v2;
	v2 =	vnsel vm3, $0x0, v7  }
0x59: {  	v3 =	vnsel vm2, $0x0, v7;
	[tilespmem:s14+$0x1280] =	vst v2  }
0x5a: {  	[tilespmem:s14+$0x1200] =	vst v3  }
0x5b: {  	vm1 =	vmor vm1, vm4;
	v2 =	vsel vm2, $0x3F800000, v0  }
0x5c: {  	vm0 =	vmor vm1, vm0;
	[tilespmem:s14+$0x2200] =	vst v2  }
0x5d: {  	v3 =	vsel vm0, $0x0, v7;
	v2 =	vsel vm0, $0x0, v1;
	[tilespmem:s15+$0x3000] =	vst v5  }
0x5e: {  	s16 =	sand.u32 $0xC00, s18;
	s14 =	sand.u32 $0x70, s19;
	[tilespmem:s15+$0x1000] =	vst v3  }
0x5f: {  	s14 =	sor.u32 s14, s16;
	s16 =	sor.u32 s16, s19;
	[tilespmem:s15+$0x2000] =	vst v2  }
0x60: {  	s16 =	sor.u32 $0x180, s16;
	v2 =	vld [tilespmem:s14+$0x0]  }
0x61: {  	v3 =	vld [tilespmem:s14+$0x80]  }
0x62: {  	v4 =	vld [tilespmem:s14+$0x100]  }
0x63: {  	v5 =	vld [tilespmem:s16+$0x0]  }
0x64: {  	v6 =	vld [tilespmem:s14+$0x200]  }
0x65: {  	s15 =	sor.u32 s18, s19;
	v7 =	vld [tilespmem:s14+$0x280]  }
0x66: {  	s15 =	sor.u32 $0x380, s15;
	v8 =	vld [tilespmem:s14+$0x300];
	v9 =	vmax.f32 v2, v3  }
0x67: {  	v10 =	vld [tilespmem:s15+$0x0];
	v9 =	vmax.f32 v9, v4  }
0x68: {  	v9 =	vmax.f32 v9, v5  }
0x69: {  	v9 =	vmax.f32 v9, v6  }
0x6a: {  	v9 =	vmax.f32 v9, v7  }
0x6b: {  	v9 =	vmax.f32 v9, v8  }
0x6c: {  	v9 =	vmax.f32 v9, v10  }
0x6d: {  	v2 =	vsub.f32 v2, v9;
	v3 =	vsub.f32 v3, v9  }
0x6e: {  	v4 =	vsub.f32 v4, v9;
	v5 =	vsub.f32 v5, v9  }
0x6f: {  	v6 =	vsub.f32 v6, v9;
	v2 =	vmul.f32 $1.442695020e+00, v2;
	v3 =	vmul.f32 $1.442695020e+00, v3  }
0x70: {  	v7 =	vsub.f32 v7, v9;
	v4 =	vmul.f32 $1.442695020e+00, v4;
	v5 =	vmul.f32 $1.442695020e+00, v5  }
0x71: {  	v8 =	vsub.f32 v8, v9;
	v6 =	vmul.f32 $1.442695020e+00, v6;
	(erf) = vpow2.f32 v2  }
0x72: {  	v2 =	vmul.f32 $1.442695020e+00, v7;
	v7 =	vsub.f32 v10, v9;
	(erf) = vpow2.f32 v3  }
0x73: {  	v3 =	vmul.f32 $1.442695020e+00, v8  }
0x74: {  	v7 =	vmul.f32 $1.442695020e+00, v7;
	(erf) = vpow2.f32 v4;
	_ =	sdelay $0x1  }
0x75: {  	(erf) = vpow2.f32 v5;
	_ =	sdelay $0x1  }
0x76: {  	(erf) = vpow2.f32 v6;
	_ =	sdelay $0x1  }
0x77: {  	v4 =	vpop (erf);
	(erf) = vpow2.f32 v2  }
0x78: {  	v2 =	vpop (erf)  }
0x79: {  	v8 =	vadd.f32 v2, v4;
	(erf) = vpow2.f32 v3  }
0x7a: {  	v6 =	vpop (erf)  }
0x7b: {  	v3 =	vadd.f32 v8, v6;
	(erf) = vpow2.f32 v7  }
0x7c: {  	v5 =	vpop (erf)  }
0x7d: {  	v3 =	vadd.f32 v3, v5  }
0x7e: {  	v7 =	vpop (erf)  }
0x7f: {  	v3 =	vadd.f32 v3, v7  }
0x80: {  	v8 =	vpop (erf)  }
0x81: {  	v3 =	vadd.f32 v3, v8  }
0x82: {  	v9 =	vpop (erf)  }
0x83: {  	v3 =	vadd.f32 v3, v9  }
0x84: {  	v10 =	vpop (erf)  }
0x85: {  	v3 =	vadd.f32 v3, v10;
	_ =	sdelay $0x1  }
0x86: {  	(erf) = vrcp.f32 v3;
	_ =	sdelay $0x8  }
0x87: {  	v11 =	vpop (erf)  }
0x88: {  	v12 =	vmul.f32 v11, v4;
	v3 =	vmul.f32 v11, v5;
	v4 =	vadd.f32 $9.999999930e-09, v11  }
0x89: {  	v13 =	vmul.f32 v11, v2;
	v14 =	vmul.f32 v11, v6  }
0x8a: {  	vm8 =	vne.f32 v12, v11;
	vm7 =	veq.f32 v12, v11;
	(erf) = vrcp.f32 v4  }
0x8b: {  	vm10 =	veq.f32 v13, v11;
	vm9 =	veq.f32 v14, v11;
	vm0 =	veq.f32 v3, v11  }
0x8c: {  	v6 =	vmul.f32 v11, v7;
	v2 =	vmul.f32 v11, v8;
	vm4 =	vmor vm7, vm10  }
0x8d: {  	v4 =	vmul.f32 v11, v9;
	v8 =	vsel vm7, $0x3F800000, v0;
	vm1 =	vmor vm9, vm4  }
0x8e: {  	vm11 =	veq.f32 v6, v11;
	vm2 =	vmneg vm1;
	vm3 =	vmor vm0, vm1  }
0x8f: {  	vm5 =	vmand vm0, vm2;
	vm0 =	vmor vm11, vm3;
	vm2 =	veq.f32 v2, v11  }
0x90: {  	vm1 =	veq.f32 v4, v11;
	vm6 =	vmneg vm0;
	vm0 =	vmor vm2, vm0  }
0x91: {  	vm12 =	vmneg vm3;
	vm3 =	vmand vm2, vm6;
	vm6 =	vmneg vm0  }
0x92: {  	v5 =	vmul.f32 v11, v10;
	vm2 =	vmand vm11, vm12  }
.Ltmp0:
0x93: {  	[tilespmem:s14+$0x3000] =	vst v12;
	v7 =	vpop (erf);
	(pc) =	sbr.rel @p0 .LBB2_2-.Ltmp0, $4  }
0x94: {  	vm11 =	vmneg vm4;
	vm4 =	vne.f32 v5, v11;
	v7 =	vmul.f32 v7, v11;
	[tilespmem:s14+$0x3100] =	vst v14  }
0x95: {  	vm8 =	vmand vm10, vm8;
	vm9 =	vmand vm9, vm11;
	[tilespmem:s14+$0x3080] =	vst v13  }
0x96: {  	[tilespmem:s14+$0x2000] =	vst v8;
	v10 =	vnsel vm7, $0x0, v7;
	v8 =	vnsel vm8, $0x0, v7;
	v9 =	vnsel vm9, $0x0, v7  }
0x97: {  	v11 =	vsel vm8, $0x3F800000, v0;
	[tilespmem:s14+$0x1000] =	vst v10;
	v10 =	vsel vm9, $0x3F800000, v0  }
0x98: {  	[tilespmem:s14+$0x2080] =	vst v11  }
0x99: {  	[tilespmem:s14+$0x2100] =	vst v10  }
0x9a: {  	[tilespmem:s14+$0x1100] =	vst v9  }
0x9b: {  	[tilespmem:s14+$0x1080] =	vst v8  }
0x9c: {  	[tilespmem:s16+$0x3000] =	vst v3;
	v3 =	vsel vm5, $0x3F800000, v0  }
0x9d: {  	[tilespmem:s16+$0x2000] =	vst v3;
	v3 =	vnsel vm5, $0x0, v7  }
0x9e: {  	vm14 =	vmand vm1, vm6;
	[tilespmem:s16+$0x1000] =	vst v3  }
0x9f: {  	v3 =	vnsel vm14, $0x0, v7;
	[tilespmem:s14+$0x3200] =	vst v6  }
0xa0: {  	v63 =	vsel vm14, $0x3F800000, v0;
	[tilespmem:s14+$0x1300] =	vst v3  }
0xa1: {  	[tilespmem:s14+$0x2300] =	vst v63  }
0xa2: {  	[tilespmem:s14+$0x3300] =	vst v4  }
0xa3: {  	v3 =	vsel vm3, $0x3F800000, v0;
	[tilespmem:s14+$0x3280] =	vst v2  }
0xa4: {  	v2 =	vnsel vm3, $0x0, v7;
	[tilespmem:s14+$0x2280] =	vst v3  }
0xa5: {  	v3 =	vnsel vm2, $0x0, v7;
	[tilespmem:s14+$0x1280] =	vst v2  }
0xa6: {  	vm15 =	vmor vm1, vm4;
	v2 =	vsel vm2, $0x3F800000, v0;
	[tilespmem:s14+$0x1200] =	vst v3  }
0xa7: {  	vm0 =	vmor vm15, vm0;
	[tilespmem:s14+$0x2200] =	vst v2  }
0xa8: {  	v2 =	vsel vm0, $0x0, v7;
	[tilespmem:s15+$0x3000] =	vst v5  }
0xa9: {  	v3 =	vsel vm0, $0x0, v1;
	[tilespmem:s15+$0x1000] =	vst v2  }
0xaa: {  	[tilespmem:s15+$0x2000] =	vst v3  }
0xab: {  	[hbm4b:s4+s2] =	stream.linear.scatter [tilespmem:s9], [sflag:$0x1], $0x1000, $0x38;
	[tilespmem:$0x4000] =	vst v63  }
0xac: {  	_ = 	snop  }
0xad: {  	[hbm4b:s5+s2] =	stream.linear.scatter [tilespmem:s10], [sflag:$0x1], $0x1000, $0x38;
	[tilespmem:$0x4000] =	vst v63  }
0xae: {  	_ = 	snop  }
0xaf: {  	[hbm4b:s6+s2] =	stream.linear.scatter [tilespmem:s11], [sflag:$0x1], $0x1000, $0x38;
	[tilespmem:$0x4000] =	vst v63  }
0xb0: {  	_ =	swait.ge [sflag:s12], $0x1000  }
0xb1: {  	[sflag:s12] =	ssyncset.done $0x0  }
0xb2: {  	s13 =	sadd.s32 $0x1, s13;
	[sflag:s12] =	ssyncadd.s32 $0xFFFFF000  }
0xb3: {  	p0 =	sne.s32 s13, s7;
	_ =	swait.ge [sflag:s12], $0x1000  }
.Ltmp1:
0xb4: {  	[sflag:s12] =	ssyncset.done $0x0;
	(pc) =	sbr.rel @p0 .LBB2_1-.Ltmp1, $4  }
0xb5: {  	[sflag:s12] =	ssyncadd.s32 $0xFFFFF000  }
0xb6: {  	_ =	swait.ge [sflag:s12], $0x1000  }
0xb7: {  	[sflag:s12] =	ssyncset.done $0x0  }
0xb8: {  	[sflag:s12] =	ssyncadd.s32 $0xFFFFF000  }
0xb9: {  	_ =	sfence.sel $0x180000  }
0xba: {  	[bflag:$0x0] =	sbarrier.arrive $0xFFFF  }
0xbb: {  	p0 =	sne.s32 s1, $0x0;
	_ =	strace $0x90000047  }
0xbc: {  	s0 =	sadd.s32 @!p0 $0x100000, s0;
	[bflag:$0x2] =	sbarrier.arrive $0xFFFF  }
0xbd: {  	[sflag:s0] =	ssyncadd.tile.s32 @!p0 $0x1;
	_ =	shalt  }
.Lfunc_end2:
_tile_overlayer_lowered:
.L_overlay_start_2:
0xbe: {  	(tag) =	ssettag $0x2  }
0xbf: {  	s0 =	rddreg [dreg:$0x0];
	s2 =	stileid.u32  }
0xc0: {  	s1 =	rddreg [dreg:$0x1];
	p0 =	sne.s32 s2, $0x0  }
0xc1: {  	s3 =	rddreg [dreg:$0x2];
	[bflag:$0x3] =	sbarrier.arrive $0xFFFF;
	s2 =	simm.s32 @!p0 $0x1C02  }
0xc2: {  	[timem:s3], [sflag:s2] =	dma.local @!p0 [hbm:s0], s1  }
0xc3: {  	s0 =	simm.s32 @!p0 $0x2  }
0xc4: {  	_ =	swait.ge @!p0 [sflag:s0], s1  }
0xc5: {  	s1 =	ssub.s32 @!p0 $0x0, s1;
	[sflag:s0] =	ssyncset.done @!p0 $0x0  }
0xc6: {  	[sflag:s0] =	ssyncadd.s32 @!p0 s1  }
0xc7: {  	[bflag:$0x3] =	sbarrier.arrive $0xFFFF  }
0xc8: {  	_ =	shalt  }

</sc_bundles>
